<compile_context>
chip_gen: v7x
topology: tpu7x:2x2x1
jax: 0.10.2.dev20260603
libtpu: 0.0.44.dev20260713+nightly
codegen_flags: <defaults>
</compile_context>

<pallas_src>
import functools

import jax
import jax.numpy as jnp
import numpy as np
from jax import lax
from jax.experimental import pallas as pl
from jax.experimental.pallas import tpu as pltpu
from jax.experimental.pallas import tpu_sc as plsc

B = 16
L = 200
LA = 10
D_IN = 1024
D = 128
P = 75
S_OUT = 1 + LA + 2 + L + P

_HALF = L // 2
_WLOAD = 104
_PSPLIT = 40
_ASPLIT = 8
_NROWS = _WLOAD + _PSPLIT + _ASPLIT
_CROWS = 40


def _const_tables():
    base = np.arange(B, dtype=np.int32)[:, None]
    h0 = np.concatenate([[0], 13 + np.arange(_HALF), [112] * (_WLOAD - _HALF - 1)])
    h1 = np.concatenate([113 + np.arange(_HALF), [212] * (_WLOAD - _HALF)])
    pos = np.concatenate([213 + np.arange(P), [287] * (2 * _PSPLIT - P)])
    arow = np.concatenate([1 + np.arange(12), [12] * (2 * _ASPLIT - 12)])
    c0 = np.concatenate([h0, pos[:_PSPLIT], arow[:_ASPLIT]]).astype(np.int32)
    c1 = np.concatenate([h1, pos[_PSPLIT:], arow[_ASPLIT:]]).astype(np.int32)
    dst0 = c0[None, :] + base * S_OUT
    dst1 = c1[None, :] + base * S_OUT
    ab0 = 16 * np.arange(8, dtype=np.int32)[None, :] + base
    ab1 = np.concatenate([128 + base, 144 + base,
                          np.broadcast_to(np.array([160, 161, 161, 161, 161, 161],
                                                   np.int32), (B, 6))], axis=1)
    flat = np.concatenate([dst0.reshape(-1), dst1.reshape(-1),
                           ab0.reshape(-1), ab1.reshape(-1)]).astype(np.int32)
    assert flat.size == _CROWS * 128, flat.size
    return flat.reshape(_CROWS, 128)


_CDATA = _const_tables()
_ABOFF = 2 * B * _NROWS


def _tc_body(ca_ref, pt_ref, abs_ref, w_ref, tw_ref, cin_ref,
             projtw_ref, mask_ref, idxw_ref, idxp_ref, cdata_ref):
    a = abs_ref[...].reshape(B * LA, D_IN)
    proj = lax.dot_general(a, w_ref[...], (((1,), (0,)), ((), ())),
                           preferred_element_type=jnp.float32)
    tw = tw_ref[...]
    projtw_ref[...] = jnp.concatenate(
        [proj, tw[0:1], jnp.broadcast_to(tw[1:2], (15, D))], axis=0)
    mask_ref[...] = jnp.ones((B, S_OUT), jnp.float32)
    ca = ca_ref[...]
    h0 = jnp.concatenate(
        [ca[:, :1], ca[:, :_HALF],
         jnp.broadcast_to(ca[:, _HALF - 1:_HALF], (B, 128 - _HALF - 1))], axis=1)
    h1 = jnp.concatenate(
        [ca[:, _HALF:], jnp.broadcast_to(ca[:, L - 1:L], (B, 128 - _HALF))], axis=1)
    idxw_ref[...] = jnp.concatenate([h0, h1], axis=0)
    pt = pt_ref[...]
    idxp_ref[...] = jnp.concatenate(
        [pt, jnp.broadcast_to(pt[:, P - 1:P], (B, 128 - P))], axis=1)
    cdata_ref[...] = cin_ref[...]


_tc_call = pl.pallas_call(
    _tc_body,
    out_shape=(
        jax.ShapeDtypeStruct((B * LA + 16, D), jnp.float32),
        jax.ShapeDtypeStruct((B, S_OUT), jnp.float32),
        jax.ShapeDtypeStruct((2 * B, 128), jnp.int32),
        jax.ShapeDtypeStruct((B, 128), jnp.int32),
        jax.ShapeDtypeStruct((_CROWS, 128), jnp.int32),
    ),
)


def _sc_body(wte, pos_table, projtw, idx_wte, pos_idx, sep_idx, cdata, out,
             idx_v, pidx_v, sep_v, abidx_v, dst_v, rows_v, sem0, sem1, sem2):
    c = lax.axis_index("c")
    s = lax.axis_index("s")
    b = s
    chunk = c * B + s

    l1 = pltpu.async_copy(idx_wte.at[pl.ds(chunk * 128, _WLOAD)], idx_v, sem0)
    l2 = pltpu.async_copy(pos_idx.at[pl.ds(b * 128 + c * _PSPLIT, _PSPLIT)], pidx_v, sem0)
    l3 = pltpu.async_copy(sep_idx.at[pl.ds(b * 16, 16)], sep_v, sem0)
    l4 = pltpu.async_copy(cdata.at[pl.ds(_ABOFF + chunk * _ASPLIT, _ASPLIT)], abidx_v, sem1)
    l5 = pltpu.async_copy(cdata.at[pl.ds(chunk * _NROWS, _NROWS)], dst_v, sem1)
    l1.wait()
    l2.wait()
    l3.wait()
    l4.wait()
    l5.wait()

    @pl.when(c == 0)
    def _():
        lanes = lax.iota(jnp.int32, 16)
        idx_v[pl.ds(0, 16)] = jnp.where(lanes == 0, sep_v[...],
                                        idx_v[pl.ds(0, 16)])

    g1 = pltpu.async_copy(wte.at[idx_v], rows_v.at[pl.ds(0, _WLOAD)], sem0)
    g2 = pltpu.async_copy(pos_table.at[pidx_v], rows_v.at[pl.ds(_WLOAD, _PSPLIT)], sem0)
    g3 = pltpu.async_copy(projtw.at[abidx_v],
                          rows_v.at[pl.ds(_WLOAD + _PSPLIT, _ASPLIT)], sem0)
    g1.wait()
    g2.wait()
    g3.wait()
    pltpu.async_copy(rows_v, out.at[dst_v], sem2).wait()


_sc_call = functools.partial(
    pl.kernel,
    out_type=jax.ShapeDtypeStruct((B * S_OUT, D), jnp.float32),
    mesh=plsc.VectorSubcoreMesh(core_axis_name="c", subcore_axis_name="s"),
    scratch_types=[
        pltpu.VMEM((_WLOAD,), jnp.int32),
        pltpu.VMEM((_PSPLIT,), jnp.int32),
        pltpu.VMEM((16,), jnp.int32),
        pltpu.VMEM((_ASPLIT,), jnp.int32),
        pltpu.VMEM((_NROWS,), jnp.int32),
        pltpu.VMEM((_NROWS, D), jnp.float32),
        pltpu.SemaphoreType.DMA,
        pltpu.SemaphoreType.DMA,
        pltpu.SemaphoreType.DMA,
    ],
)(_sc_body)


def kernel(content_all, content_all_mask, additional_bs, additional_bs_mask,
           content_prev_sep, pos_tags, wte, pos_table, token_weights, W_enc):
    abs_t = jnp.transpose(additional_bs, (1, 0, 2))
    projtw, mask, idxw, idxp, cdata = _tc_call(content_all, pos_tags, abs_t,
                                               W_enc, token_weights,
                                               jnp.asarray(_CDATA))
    sep0 = jnp.repeat(content_prev_sep[:, 0], 16)
    content = _sc_call(wte, pos_table, projtw, idxw.reshape(-1),
                       idxp.reshape(-1), sep0, cdata.reshape(-1))
    return content.reshape(B, S_OUT, D), mask

# --- scband reference (transcript-rebuilt; emitter-appended) ---
"""Pipeline reference for scband-prompt-model-52372831207920 (READ-ONLY COPY).

The authoritative reference and input builder live on the scoring server;
editing this copy changes nothing except your own understanding.
"""

import jax, jax.numpy as jnp
import numpy as np

B = 16
L = 200
LA = 10
D_IN = 1024
D = 128
VOCAB = 100000
POS_VOCAB = 50
P = 75


def setup_inputs(seed: int = 0) -> dict:
    key = jax.random.key(seed)
    ks = jax.random.split(key, 10)
    content_all = jax.random.randint(ks[0], (B, L), 0, VOCAB, dtype=jnp.int64 if jax.config.jax_enable_x64 else jnp.int32).astype(jnp.int32)
    content_all_mask = jnp.ones((B, L), dtype=jnp.float32)
    additional_bs = jax.random.normal(ks[1], (B, LA, D_IN), dtype=jnp.float32)
    additional_bs_mask = jnp.ones((B, LA), dtype=jnp.float32)
    content_prev_sep = jax.random.randint(ks[2], (B, 3), 0, VOCAB).astype(jnp.int32)
    pos_tags = jax.random.randint(ks[3], (B, P), 0, POS_VOCAB).astype(jnp.int32)
    # learned parameters
    wte = jax.random.normal(ks[4], (VOCAB, D), dtype=jnp.float32) * 0.02
    pos_table = jax.random.normal(ks[5], (POS_VOCAB, D), dtype=jnp.float32) * 0.02
    token_weights = jax.random.normal(ks[6], (2, D), dtype=jnp.float32) * 0.02
    W_enc = jax.random.normal(ks[7], (D_IN, D), dtype=jnp.float32) * 0.02
    return {
        'content_all': content_all,
        'content_all_mask': content_all_mask,
        'additional_bs': additional_bs,
        'additional_bs_mask': additional_bs_mask,
        'content_prev_sep': content_prev_sep,
        'pos_tags': pos_tags,
        'wte': wte,
        'pos_table': pos_table,
        'token_weights': token_weights,
        'W_enc': W_enc,
    }


def reference(content_all, content_all_mask, additional_bs, additional_bs_mask,
              content_prev_sep, pos_tags, wte, pos_table, token_weights, W_enc):
    # words2embedding: token-id -> embedding gather (the memory-bound core op)
    ca = jnp.take(wte, content_all, axis=0)            # [B, L, D]
    # get_tokens: embed separator tokens, overwrite last two with learned weights
    sep = jnp.take(wte, content_prev_sep, axis=0)      # [B, 3, D]
    sep = sep.at[:, -1, :].set(token_weights[-1])
    sep = sep.at[:, -2, :].set(token_weights[-2])
    # encoding_model on brain-signal features (non-fake path): linear projection
    abs_tok = jnp.einsum('bld,de->ble', additional_bs, W_enc)  # [B, LA, D]
    # positional embedding lookup
    pos = jnp.take(pos_table, pos_tags, axis=0)        # [B, P, D]
    # pad pos embeddings to feature dim of content (same D here -> no-op pad)
    pad_amt = ca.shape[-1] - pos.shape[-1]
    pos = jnp.pad(pos, ((0, 0), (0, 0), (0, pad_amt)))
    # get_prev (non-list, gpt2 path) + [content_all, pos_embeddings], concat over seq dim
    content = jnp.concatenate([sep[:, :1, :], abs_tok, sep[:, 1:, :], ca, pos], axis=-2)
    # forward regenerates the mask as all-ones of the new seq length
    mask = jnp.ones((content.shape[0], content.shape[1]), dtype=jnp.float32)
    return content, mask

if __name__ == "__main__":
    import jax
    _d = setup_inputs()
    print(jax.jit(kernel)(*tuple(_d.values())))

</pallas_src>

<mosaic_0001>
#map = affine_map<(d0, d1) -> (0, 0)>
#map1 = affine_map<(d0, d1) -> (0)>
module attributes {stable_mosaic.version = 14 : i64} {
  func.func @_sc_body(%arg0: i32, %arg1: i32, %arg2: memref<100000x128xf32, #tpu.memory_space<hbm>>, %arg3: memref<50x128xf32, #tpu.memory_space<hbm>>, %arg4: memref<176x128xf32, #tpu.memory_space<hbm>>, %arg5: memref<4096xi32, #tpu.memory_space<hbm>>, %arg6: memref<2048xi32, #tpu.memory_space<hbm>>, %arg7: memref<256xi32, #tpu.memory_space<hbm>>, %arg8: memref<5120xi32, #tpu.memory_space<hbm>>, %arg9: memref<4608x128xf32, #tpu.memory_space<hbm>>, %arg10: memref<104xi32, #tpu.memory_space<vmem>>, %arg11: memref<40xi32, #tpu.memory_space<vmem>>, %arg12: memref<16xi32, #tpu.memory_space<vmem>>, %arg13: memref<8xi32, #tpu.memory_space<vmem>>, %arg14: memref<152xi32, #tpu.memory_space<vmem>>, %arg15: memref<152x128xf32, #tpu.memory_space<vmem>>, %arg16: memref<!tpu.dma_semaphore, #tpu.memory_space<semaphore_mem>>, %arg17: memref<!tpu.dma_semaphore, #tpu.memory_space<semaphore_mem>>, %arg18: memref<!tpu.dma_semaphore, #tpu.memory_space<semaphore_mem>>) attributes {dimension_semantics = [#tpu.dimension_semantics<core_parallel>, #tpu.dimension_semantics<subcore_parallel>], iteration_bounds = array<i64: 2, 16>, scalar_prefetch = 0 : i64, scratch_operands = 9 : i64, tpu.core_type = #tpu.core_type<sc_vector_subcore>, window_params = [{transform_indices = #map}, {transform_indices = #map}, {transform_indices = #map}, {transform_indices = #map1}, {transform_indices = #map1}, {transform_indices = #map1}, {transform_indices = #map1}, {transform_indices = #map}]} {
    %mul3A = arith.constant 16 : i32
    %mul3A_0 = arith.muli %arg0, %mul3A : i32
    %add3A = arith.addi %mul3A_0, %arg1 : i32
    %mul3A_1 = arith.constant 128 : i32
    %mul3A_2 = arith.muli %add3A, %mul3A_1 : i32
    %dma_start3A = tpu.memref_slice %arg5[%mul3A_2] : memref<4096xi32, #tpu.memory_space<hbm>> -> memref<104xi32, #tpu.memory_space<hbm>>
    %dma_start3A_3 = tpu.memref_slice %arg5[%mul3A_2] : memref<4096xi32, #tpu.memory_space<hbm>> -> memref<104xi32, #tpu.memory_space<hbm>>
    tpu.enqueue_dma source(%dma_start3A_3 : memref<104xi32, #tpu.memory_space<hbm>>) target(%arg10 : memref<104xi32, #tpu.memory_space<vmem>>) target_semaphore(%arg16 : memref<!tpu.dma_semaphore, #tpu.memory_space<semaphore_mem>>)
    %mul3A_4 = arith.constant 128 : i32
    %mul3A_5 = arith.muli %arg1, %mul3A_4 : i32
    %mul3A_6 = arith.constant 40 : i32
    %mul3A_7 = arith.muli %arg0, %mul3A_6 : i32
    %add3A_8 = arith.addi %mul3A_5, %mul3A_7 : i32
    %dma_start3A_9 = tpu.memref_slice %arg6[%add3A_8] : memref<2048xi32, #tpu.memory_space<hbm>> -> memref<40xi32, #tpu.memory_space<hbm>>
    %dma_start3A_10 = tpu.memref_slice %arg6[%add3A_8] : memref<2048xi32, #tpu.memory_space<hbm>> -> memref<40xi32, #tpu.memory_space<hbm>>
    tpu.enqueue_dma source(%dma_start3A_10 : memref<40xi32, #tpu.memory_space<hbm>>) target(%arg11 : memref<40xi32, #tpu.memory_space<vmem>>) target_semaphore(%arg16 : memref<!tpu.dma_semaphore, #tpu.memory_space<semaphore_mem>>)
    %mul3A_11 = arith.constant 16 : i32
    %mul3A_12 = arith.muli %arg1, %mul3A_11 : i32
    %dma_start3A_13 = tpu.memref_slice %arg7[%mul3A_12] : memref<256xi32, #tpu.memory_space<hbm>> -> memref<16xi32, #tpu.memory_space<hbm>>
    %dma_start3A_14 = tpu.memref_slice %arg7[%mul3A_12] : memref<256xi32, #tpu.memory_space<hbm>> -> memref<16xi32, #tpu.memory_space<hbm>>
    tpu.enqueue_dma source(%dma_start3A_14 : memref<16xi32, #tpu.memory_space<hbm>>) target(%arg12 : memref<16xi32, #tpu.memory_space<vmem>>) target_semaphore(%arg16 : memref<!tpu.dma_semaphore, #tpu.memory_space<semaphore_mem>>)
    %mul3A_15 = arith.constant 8 : i32
    %mul3A_16 = arith.muli %add3A, %mul3A_15 : i32
    %add3A_17 = arith.constant 4864 : i32
    %add3A_18 = arith.addi %add3A_17, %mul3A_16 : i32
    %dma_start3A_19 = tpu.memref_slice %arg8[%add3A_18] : memref<5120xi32, #tpu.memory_space<hbm>> -> memref<8xi32, #tpu.memory_space<hbm>>
    %dma_start3A_20 = tpu.memref_slice %arg8[%add3A_18] : memref<5120xi32, #tpu.memory_space<hbm>> -> memref<8xi32, #tpu.memory_space<hbm>>
    tpu.enqueue_dma source(%dma_start3A_20 : memref<8xi32, #tpu.memory_space<hbm>>) target(%arg13 : memref<8xi32, #tpu.memory_space<vmem>>) target_semaphore(%arg17 : memref<!tpu.dma_semaphore, #tpu.memory_space<semaphore_mem>>)
    %mul3A_21 = arith.constant 152 : i32
    %mul3A_22 = arith.muli %add3A, %mul3A_21 : i32
    %dma_start3A_23 = tpu.memref_slice %arg8[%mul3A_22] : memref<5120xi32, #tpu.memory_space<hbm>> -> memref<152xi32, #tpu.memory_space<hbm>>
    %dma_start3A_24 = tpu.memref_slice %arg8[%mul3A_22] : memref<5120xi32, #tpu.memory_space<hbm>> -> memref<152xi32, #tpu.memory_space<hbm>>
    tpu.enqueue_dma source(%dma_start3A_24 : memref<152xi32, #tpu.memory_space<hbm>>) target(%arg14 : memref<152xi32, #tpu.memory_space<vmem>>) target_semaphore(%arg17 : memref<!tpu.dma_semaphore, #tpu.memory_space<semaphore_mem>>)
    %dma_wait3A = tpu.memref_slice %arg5[%mul3A_2] : memref<4096xi32, #tpu.memory_space<hbm>> -> memref<104xi32, #tpu.memory_space<hbm>>
    %dma_wait3A_25 = tpu.memref_slice %arg5[%mul3A_2] : memref<4096xi32, #tpu.memory_space<hbm>> -> memref<104xi32, #tpu.memory_space<hbm>>
    tpu.wait_dma2 semaphore(%arg16 : memref<!tpu.dma_semaphore, #tpu.memory_space<semaphore_mem>>) src(%dma_wait3A_25 : memref<104xi32, #tpu.memory_space<hbm>>) dst(%arg10 : memref<104xi32, #tpu.memory_space<vmem>>)
    %dma_wait3A_26 = tpu.memref_slice %arg6[%add3A_8] : memref<2048xi32, #tpu.memory_space<hbm>> -> memref<40xi32, #tpu.memory_space<hbm>>
    %dma_wait3A_27 = tpu.memref_slice %arg6[%add3A_8] : memref<2048xi32, #tpu.memory_space<hbm>> -> memref<40xi32, #tpu.memory_space<hbm>>
    tpu.wait_dma2 semaphore(%arg16 : memref<!tpu.dma_semaphore, #tpu.memory_space<semaphore_mem>>) src(%dma_wait3A_27 : memref<40xi32, #tpu.memory_space<hbm>>) dst(%arg11 : memref<40xi32, #tpu.memory_space<vmem>>)
    %dma_wait3A_28 = tpu.memref_slice %arg7[%mul3A_12] : memref<256xi32, #tpu.memory_space<hbm>> -> memref<16xi32, #tpu.memory_space<hbm>>
    %dma_wait3A_29 = tpu.memref_slice %arg7[%mul3A_12] : memref<256xi32, #tpu.memory_space<hbm>> -> memref<16xi32, #tpu.memory_space<hbm>>
    tpu.wait_dma2 semaphore(%arg16 : memref<!tpu.dma_semaphore, #tpu.memory_space<semaphore_mem>>) src(%dma_wait3A_29 : memref<16xi32, #tpu.memory_space<hbm>>) dst(%arg12 : memref<16xi32, #tpu.memory_space<vmem>>)
    %dma_wait3A_30 = tpu.memref_slice %arg8[%add3A_18] : memref<5120xi32, #tpu.memory_space<hbm>> -> memref<8xi32, #tpu.memory_space<hbm>>
    %dma_wait3A_31 = tpu.memref_slice %arg8[%add3A_18] : memref<5120xi32, #tpu.memory_space<hbm>> -> memref<8xi32, #tpu.memory_space<hbm>>
    tpu.wait_dma2 semaphore(%arg17 : memref<!tpu.dma_semaphore, #tpu.memory_space<semaphore_mem>>) src(%dma_wait3A_31 : memref<8xi32, #tpu.memory_space<hbm>>) dst(%arg13 : memref<8xi32, #tpu.memory_space<vmem>>)
    %dma_wait3A_32 = tpu.memref_slice %arg8[%mul3A_22] : memref<5120xi32, #tpu.memory_space<hbm>> -> memref<152xi32, #tpu.memory_space<hbm>>
    %dma_wait3A_33 = tpu.memref_slice %arg8[%mul3A_22] : memref<5120xi32, #tpu.memory_space<hbm>> -> memref<152xi32, #tpu.memory_space<hbm>>
    tpu.wait_dma2 semaphore(%arg17 : memref<!tpu.dma_semaphore, #tpu.memory_space<semaphore_mem>>) src(%dma_wait3A_33 : memref<152xi32, #tpu.memory_space<hbm>>) dst(%arg14 : memref<152xi32, #tpu.memory_space<vmem>>)
    %eq3A = arith.constant 0 : i32
    %eq3A_34 = arith.cmpi eq, %arg0, %eq3A : i32
    %convert_element_type3A = arith.extui %eq3A_34 : i1 to i32
    %cond3A = arith.constant 0 : i32
    %cond3A_35 = arith.cmpi ne, %convert_element_type3A, %cond3A : i32
    scf.if %cond3A_35 {
      %iota3A = tpu.iota {dimensions = array<i32: 0>} : vector<16xi32>
      %eq3A_78 = arith.constant 0 : i32
      %eq3A_79 = vector.broadcast %eq3A_78 : i32 to vector<16xi32>
      %eq3A_80 = arith.cmpi eq, %iota3A, %eq3A_79 : vector<16xi32>
      %get3A = arith.constant 0 : index
      %get3A_81 = tpu.vector_load %arg12[%get3A] {strides = array<i32>} : memref<16xi32, #tpu.memory_space<vmem>>, vector<16xi32>,
      %get3A_82 = vector.shape_cast %get3A_81 : vector<16xi32> to vector<16xi32>
      %get3A_83 = arith.constant 0 : index
      %get3A_84 = tpu.vector_load %arg10[%get3A_83] {strides = array<i32>} : memref<104xi32, #tpu.memory_space<vmem>>, vector<16xi32>,
      %get3A_85 = vector.shape_cast %get3A_84 : vector<16xi32> to vector<16xi32>
      %select_n3A = arith.select %eq3A_80, %get3A_82, %get3A_85 : vector<16xi1>, vector<16xi32>
      %swap3A = arith.constant 0 : index
      %swap3A_86 = tpu.vector_load %arg10[%swap3A] {strides = array<i32>} : memref<104xi32, #tpu.memory_space<vmem>>, vector<16xi32>,
      %swap3A_87 = vector.shape_cast %swap3A_86 : vector<16xi32> to vector<16xi32>
      %swap3A_88 = vector.shape_cast %select_n3A : vector<16xi32> to vector<16xi32>
      tpu.vector_store %arg10[%swap3A], %swap3A_88 {strides = array<i32>} : memref<104xi32, #tpu.memory_space<vmem>>, vector<16xi32>,
    } else {
    }
    %dma_start3A_36 = arith.constant 0 : i32
    %dma_start3A_37 = arith.constant 0 : i32
    %dma_start3A_38 = tpu.memref_slice %arg15[%dma_start3A_36, %dma_start3A_37] : memref<152x128xf32, #tpu.memory_space<vmem>> -> memref<104x128xf32, #tpu.memory_space<vmem>>
    %dma_start3A_39 = arith.constant 0 : i32
    %dma_start3A_40 = arith.constant 0 : i32
    %dma_start3A_41 = tpu.memref_slice %arg2[%dma_start3A_39, %dma_start3A_40] : memref<100000x128xf32, #tpu.memory_space<hbm>> -> memref<100000x128xf32, #tpu.memory_space<hbm>>
    tpu.enqueue_indirect_dma source(%dma_start3A_41 : memref<100000x128xf32, #tpu.memory_space<hbm>>) target(%dma_start3A_38 : memref<104x128xf32, #tpu.memory_space<vmem>>) offsets(%arg10 : memref<104xi32, #tpu.memory_space<vmem>>) semaphore(%arg16 : memref<!tpu.dma_semaphore, #tpu.memory_space<semaphore_mem>>)
    %dma_start3A_42 = arith.constant 104 : i32
    %dma_start3A_43 = arith.constant 0 : i32
    %dma_start3A_44 = tpu.memref_slice %arg15[%dma_start3A_42, %dma_start3A_43] : memref<152x128xf32, #tpu.memory_space<vmem>> -> memref<40x128xf32, #tpu.memory_space<vmem>>
    %dma_start3A_45 = arith.constant 0 : i32
    %dma_start3A_46 = arith.constant 0 : i32
    %dma_start3A_47 = tpu.memref_slice %arg3[%dma_start3A_45, %dma_start3A_46] : memref<50x128xf32, #tpu.memory_space<hbm>> -> memref<50x128xf32, #tpu.memory_space<hbm>>
    tpu.enqueue_indirect_dma source(%dma_start3A_47 : memref<50x128xf32, #tpu.memory_space<hbm>>) target(%dma_start3A_44 : memref<40x128xf32, #tpu.memory_space<vmem>>) offsets(%arg11 : memref<40xi32, #tpu.memory_space<vmem>>) semaphore(%arg16 : memref<!tpu.dma_semaphore, #tpu.memory_space<semaphore_mem>>)
    %dma_start3A_48 = arith.constant 144 : i32
    %dma_start3A_49 = arith.constant 0 : i32
    %dma_start3A_50 = tpu.memref_slice %arg15[%dma_start3A_48, %dma_start3A_49] : memref<152x128xf32, #tpu.memory_space<vmem>> -> memref<8x128xf32, #tpu.memory_space<vmem>>
    %dma_start3A_51 = arith.constant 0 : i32
    %dma_start3A_52 = arith.constant 0 : i32
    %dma_start3A_53 = tpu.memref_slice %arg4[%dma_start3A_51, %dma_start3A_52] : memref<176x128xf32, #tpu.memory_space<hbm>> -> memref<176x128xf32, #tpu.memory_space<hbm>>
    tpu.enqueue_indirect_dma source(%dma_start3A_53 : memref<176x128xf32, #tpu.memory_space<hbm>>) target(%dma_start3A_50 : memref<8x128xf32, #tpu.memory_space<vmem>>) offsets(%arg13 : memref<8xi32, #tpu.memory_space<vmem>>) semaphore(%arg16 : memref<!tpu.dma_semaphore, #tpu.memory_space<semaphore_mem>>)
    %dma_wait3A_54 = arith.constant 0 : i32
    %dma_wait3A_55 = arith.constant 0 : i32
    %dma_wait3A_56 = tpu.memref_slice %arg15[%dma_wait3A_54, %dma_wait3A_55] : memref<152x128xf32, #tpu.memory_space<vmem>> -> memref<104x128xf32, #tpu.memory_space<vmem>>
    %dma_wait3A_57 = arith.constant 0 : i32
    %dma_wait3A_58 = arith.constant 0 : i32
    %dma_wait3A_59 = tpu.memref_slice %arg2[%dma_wait3A_57, %dma_wait3A_58] : memref<100000x128xf32, #tpu.memory_space<hbm>> -> memref<100000x128xf32, #tpu.memory_space<hbm>>
    tpu.wait_indirect_dma semaphore(%arg16 : memref<!tpu.dma_semaphore, #tpu.memory_space<semaphore_mem>>) src(%dma_wait3A_59 : memref<100000x128xf32, #tpu.memory_space<hbm>>) dst(%dma_wait3A_56 : memref<104x128xf32, #tpu.memory_space<vmem>>)
    %dma_wait3A_60 = arith.constant 104 : i32
    %dma_wait3A_61 = arith.constant 0 : i32
    %dma_wait3A_62 = tpu.memref_slice %arg15[%dma_wait3A_60, %dma_wait3A_61] : memref<152x128xf32, #tpu.memory_space<vmem>> -> memref<40x128xf32, #tpu.memory_space<vmem>>
    %dma_wait3A_63 = arith.constant 0 : i32
    %dma_wait3A_64 = arith.constant 0 : i32
    %dma_wait3A_65 = tpu.memref_slice %arg3[%dma_wait3A_63, %dma_wait3A_64] : memref<50x128xf32, #tpu.memory_space<hbm>> -> memref<50x128xf32, #tpu.memory_space<hbm>>
    tpu.wait_indirect_dma semaphore(%arg16 : memref<!tpu.dma_semaphore, #tpu.memory_space<semaphore_mem>>) src(%dma_wait3A_65 : memref<50x128xf32, #tpu.memory_space<hbm>>) dst(%dma_wait3A_62 : memref<40x128xf32, #tpu.memory_space<vmem>>)
    %dma_wait3A_66 = arith.constant 144 : i32
    %dma_wait3A_67 = arith.constant 0 : i32
    %dma_wait3A_68 = tpu.memref_slice %arg15[%dma_wait3A_66, %dma_wait3A_67] : memref<152x128xf32, #tpu.memory_space<vmem>> -> memref<8x128xf32, #tpu.memory_space<vmem>>
    %dma_wait3A_69 = arith.constant 0 : i32
    %dma_wait3A_70 = arith.constant 0 : i32
    %dma_wait3A_71 = tpu.memref_slice %arg4[%dma_wait3A_69, %dma_wait3A_70] : memref<176x128xf32, #tpu.memory_space<hbm>> -> memref<176x128xf32, #tpu.memory_space<hbm>>
    tpu.wait_indirect_dma semaphore(%arg16 : memref<!tpu.dma_semaphore, #tpu.memory_space<semaphore_mem>>) src(%dma_wait3A_71 : memref<176x128xf32, #tpu.memory_space<hbm>>) dst(%dma_wait3A_68 : memref<8x128xf32, #tpu.memory_space<vmem>>)
    %dma_start3A_72 = arith.constant 0 : i32
    %dma_start3A_73 = arith.constant 0 : i32
    %dma_start3A_74 = tpu.memref_slice %arg9[%dma_start3A_72, %dma_start3A_73] : memref<4608x128xf32, #tpu.memory_space<hbm>> -> memref<4608x128xf32, #tpu.memory_space<hbm>>
    tpu.enqueue_indirect_dma source(%arg15 : memref<152x128xf32, #tpu.memory_space<vmem>>) target(%dma_start3A_74 : memref<4608x128xf32, #tpu.memory_space<hbm>>) offsets(%arg14 : memref<152xi32, #tpu.memory_space<vmem>>) semaphore(%arg18 : memref<!tpu.dma_semaphore, #tpu.memory_space<semaphore_mem>>)
    %dma_wait3A_75 = arith.constant 0 : i32
    %dma_wait3A_76 = arith.constant 0 : i32
    %dma_wait3A_77 = tpu.memref_slice %arg9[%dma_wait3A_75, %dma_wait3A_76] : memref<4608x128xf32, #tpu.memory_space<hbm>> -> memref<4608x128xf32, #tpu.memory_space<hbm>>
    tpu.wait_indirect_dma semaphore(%arg18 : memref<!tpu.dma_semaphore, #tpu.memory_space<semaphore_mem>>) src(%arg15 : memref<152x128xf32, #tpu.memory_space<vmem>>) dst(%dma_wait3A_77 : memref<4608x128xf32, #tpu.memory_space<hbm>>)
    return
  }
}

module attributes {stable_mosaic.version = 14 : i64} {
  func.func @_tc_body(%arg0: memref<16x200xi32, #tpu.memory_space<vmem>>, %arg1: memref<16x75xi32, #tpu.memory_space<vmem>>, %arg2: memref<10x16x1024xf32, #tpu.memory_space<vmem>>, %arg3: memref<1024x128xf32, #tpu.memory_space<vmem>>, %arg4: memref<2x128xf32, #tpu.memory_space<vmem>>, %arg5: memref<40x128xi32, #tpu.memory_space<vmem>>, %arg6: memref<176x128xf32, #tpu.memory_space<vmem>>, %arg7: memref<16x288xf32, #tpu.memory_space<vmem>>, %arg8: memref<32x128xi32, #tpu.memory_space<vmem>>, %arg9: memref<16x128xi32, #tpu.memory_space<vmem>>, %arg10: memref<40x128xi32, #tpu.memory_space<vmem>>) attributes {dimension_semantics = [], scalar_prefetch = 0 : i64, scratch_operands = 0 : i64, tpu.core_type = #tpu.core_type<tc>} {
    %get3A = arith.constant 0 : index
    %get3A_0 = arith.constant 0 : index
    %get3A_1 = arith.constant 0 : index
    %get3A_2 = vector.load %arg2[%get3A, %get3A_0, %get3A_1] : memref<10x16x1024xf32, #tpu.memory_space<vmem>>, vector<10x16x1024xf32>
    %reshape3A = vector.shape_cast %get3A_2 : vector<10x16x1024xf32> to vector<160x1024xf32>
    %get3A_3 = arith.constant 0 : index
    %get3A_4 = arith.constant 0 : index
    %get3A_5 = vector.load %arg3[%get3A_3, %get3A_4] : memref<1024x128xf32, #tpu.memory_space<vmem>>, vector<1024x128xf32>
    %dot_general3A = arith.constant dense<0.000000e+00> : vector<160x128xf32>
    %dot_general3A_6 = tpu.matmul %reshape3A, %get3A_5, %dot_general3A {dimension_numbers = #tpu.dot_dimension_numbers<[1], [0], [0], [1], [0, 0, 1, 1], [], []>, transpose_lhs_hint = false} : vector<160x1024xf32>, vector<1024x128xf32>, vector<160x128xf32> -> vector<160x128xf32>
    %get3A_7 = arith.constant 0 : index
    %get3A_8 = arith.constant 0 : index
    %get3A_9 = vector.load %arg4[%get3A_7, %get3A_8] : memref<2x128xf32, #tpu.memory_space<vmem>>, vector<2x128xf32>
    %slice3A = vector.extract_strided_slice %get3A_9 {offsets = [0, 0], sizes = [1, 128], strides = [1, 1]} : vector<2x128xf32> to vector<1x128xf32>
    %slice3A_10 = vector.extract_strided_slice %get3A_9 {offsets = [1, 0], sizes = [1, 128], strides = [1, 1]} : vector<2x128xf32> to vector<1x128xf32>
    %broadcast_in_dim3A = vector.shape_cast %slice3A_10 : vector<1x128xf32> to vector<1x128xf32>
    %broadcast_in_dim3A_11 = vector.broadcast %broadcast_in_dim3A : vector<1x128xf32> to vector<15x128xf32>
    %concatenate3A = tpu.concatenate %dot_general3A_6, %slice3A, %broadcast_in_dim3A_11 in 0 : vector<160x128xf32>, vector<1x128xf32>, vector<15x128xf32> -> vector<176x128xf32>
    %swap3A = arith.constant 0 : index
    %swap3A_12 = arith.constant 0 : index
    %swap3A_13 = vector.load %arg6[%swap3A, %swap3A_12] : memref<176x128xf32, #tpu.memory_space<vmem>>, vector<176x128xf32>
    tpu.vector_store %arg6[%swap3A, %swap3A_12], %concatenate3A {strides = array<i32>} : memref<176x128xf32, #tpu.memory_space<vmem>>, vector<176x128xf32>,
    %broadcast_in_dim3A_14 = arith.constant 1.000000e+00 : f32
    %broadcast_in_dim3A_15 = vector.broadcast %broadcast_in_dim3A_14 : f32 to vector<16x288xf32>
    %swap3A_16 = arith.constant 0 : index
    %swap3A_17 = arith.constant 0 : index
    %swap3A_18 = vector.load %arg7[%swap3A_16, %swap3A_17] : memref<16x288xf32, #tpu.memory_space<vmem>>, vector<16x288xf32>
    tpu.vector_store %arg7[%swap3A_16, %swap3A_17], %broadcast_in_dim3A_15 {strides = array<i32>} : memref<16x288xf32, #tpu.memory_space<vmem>>, vector<16x288xf32>,
    %get3A_19 = arith.constant 0 : index
    %get3A_20 = arith.constant 0 : index
    %get3A_21 = vector.load %arg0[%get3A_19, %get3A_20] : memref<16x200xi32, #tpu.memory_space<vmem>>, vector<16x200xi32>
    %slice3A_22 = vector.extract_strided_slice %get3A_21 {offsets = [0, 0], sizes = [16, 1], strides = [1, 1]} : vector<16x200xi32> to vector<16x1xi32>
    %slice3A_23 = vector.extract_strided_slice %get3A_21 {offsets = [0, 0], sizes = [16, 100], strides = [1, 1]} : vector<16x200xi32> to vector<16x100xi32>
    %slice3A_24 = vector.extract_strided_slice %get3A_21 {offsets = [0, 99], sizes = [16, 1], strides = [1, 1]} : vector<16x200xi32> to vector<16x1xi32>
    %broadcast_in_dim3A_25 = vector.shape_cast %slice3A_24 : vector<16x1xi32> to vector<16x1xi32>
    %broadcast_in_dim3A_26 = vector.broadcast %broadcast_in_dim3A_25 : vector<16x1xi32> to vector<16x27xi32>
    %concatenate3A_27 = tpu.concatenate %slice3A_22, %slice3A_23, %broadcast_in_dim3A_26 in 1 : vector<16x1xi32>, vector<16x100xi32>, vector<16x27xi32> -> vector<16x128xi32>
    %slice3A_28 = vector.extract_strided_slice %get3A_21 {offsets = [0, 100], sizes = [16, 100], strides = [1, 1]} : vector<16x200xi32> to vector<16x100xi32>
    %slice3A_29 = vector.extract_strided_slice %get3A_21 {offsets = [0, 199], sizes = [16, 1], strides = [1, 1]} : vector<16x200xi32> to vector<16x1xi32>
    %broadcast_in_dim3A_30 = vector.shape_cast %slice3A_29 : vector<16x1xi32> to vector<16x1xi32>
    %broadcast_in_dim3A_31 = vector.broadcast %broadcast_in_dim3A_30 : vector<16x1xi32> to vector<16x28xi32>
    %concatenate3A_32 = tpu.concatenate %slice3A_28, %broadcast_in_dim3A_31 in 1 : vector<16x100xi32>, vector<16x28xi32> -> vector<16x128xi32>
    %concatenate3A_33 = tpu.concatenate %concatenate3A_27, %concatenate3A_32 in 0 : vector<16x128xi32>, vector<16x128xi32> -> vector<32x128xi32>
    %swap3A_34 = arith.constant 0 : index
    %swap3A_35 = arith.constant 0 : index
    %swap3A_36 = vector.load %arg8[%swap3A_34, %swap3A_35] : memref<32x128xi32, #tpu.memory_space<vmem>>, vector<32x128xi32>
    tpu.vector_store %arg8[%swap3A_34, %swap3A_35], %concatenate3A_33 {strides = array<i32>} : memref<32x128xi32, #tpu.memory_space<vmem>>, vector<32x128xi32>,
    %get3A_37 = arith.constant 0 : index
    %get3A_38 = arith.constant 0 : index
    %get3A_39 = vector.load %arg1[%get3A_37, %get3A_38] : memref<16x75xi32, #tpu.memory_space<vmem>>, vector<16x75xi32>
    %slice3A_40 = vector.extract_strided_slice %get3A_39 {offsets = [0, 74], sizes = [16, 1], strides = [1, 1]} : vector<16x75xi32> to vector<16x1xi32>
    %broadcast_in_dim3A_41 = vector.shape_cast %slice3A_40 : vector<16x1xi32> to vector<16x1xi32>
    %broadcast_in_dim3A_42 = vector.broadcast %broadcast_in_dim3A_41 : vector<16x1xi32> to vector<16x53xi32>
    %concatenate3A_43 = tpu.concatenate %get3A_39, %broadcast_in_dim3A_42 in 1 : vector<16x75xi32>, vector<16x53xi32> -> vector<16x128xi32>
    %swap3A_44 = arith.constant 0 : index
    %swap3A_45 = arith.constant 0 : index
    %swap3A_46 = vector.load %arg9[%swap3A_44, %swap3A_45] : memref<16x128xi32, #tpu.memory_space<vmem>>, vector<16x128xi32>
    tpu.vector_store %arg9[%swap3A_44, %swap3A_45], %concatenate3A_43 {strides = array<i32>} : memref<16x128xi32, #tpu.memory_space<vmem>>, vector<16x128xi32>,
    %get3A_47 = arith.constant 0 : index
    %get3A_48 = arith.constant 0 : index
    %get3A_49 = vector.load %arg5[%get3A_47, %get3A_48] : memref<40x128xi32, #tpu.memory_space<vmem>>, vector<40x128xi32>
    %swap3A_50 = arith.constant 0 : index
    %swap3A_51 = arith.constant 0 : index
    %swap3A_52 = vector.load %arg10[%swap3A_50, %swap3A_51] : memref<40x128xi32, #tpu.memory_space<vmem>>, vector<40x128xi32>
    tpu.vector_store %arg10[%swap3A_50, %swap3A_51], %get3A_49 {strides = array<i32>} : memref<40x128xi32, #tpu.memory_space<vmem>>, vector<40x128xi32>,
    return
  }
}

</mosaic_0001>

<sc_bundles>
// kernel: kernel.4.cloned.1.call-start
scs
__scs_entry_jumppad:
0x0: {  	(pc) =	sbr.rel $0x88, $3  }
0x1: {  	(tag) =	ssettag $0x0;
	lr =	simm.s32 $0x1  }
0x2: {  	[smem:$0x3F99] =	sst lr;
	_ =	strace $0xD0000000  }
0x3: {  	_ = 	snop  }
0x4: {  	_ = 	snop  }
0x5: {  	_ = 	snop  }
0x6: {  	_ = 	snop  }
0x7: {  	_ = 	snop  }
__scs_overlays_trampoline_lowered:
0x8: {  	[smem:$0x3FA8] =	sst s0  }
0x9: {  	[smem:$0x3FA9] =	sst s1  }
0xa: {  	[smem:$0x3FAA] =	sst s2  }
0xb: {  	[smem:$0x3FAB] =	sst s3  }
0xc: {  	[smem:$0x3FAC] =	sst s4  }
0xd: {  	[smem:$0x3FAD] =	sst s5  }
0xe: {  	[smem:$0x3FAE] =	sst s6  }
0xf: {  	[smem:$0x3FAF] =	sst s7  }
0x10: {  	[smem:$0x3FB0] =	sst s8  }
0x11: {  	[smem:$0x3FB1] =	sst s9;
	s0 =	simm.s32 @!p0 $0x0  }
0x12: {  	s1 =	sld [smem:$0x3F97];
	s0 =	simm.s32 @p0 $0x1  }
0x13: {  	[smem:$0x3FB2] =	sst s0;
	s0 =	simm.s32 @!p1 $0x0  }
0x14: {  	s2 =	sld [smem:$0x3F96];
	s0 =	simm.s32 @p1 $0x1  }
0x15: {  	[smem:$0x3FB3] =	sst s0;
	s0 =	simm.s32 @!p2 $0x0  }
0x16: {  	s3 =	sld [smem:$0x3FDB];
	s0 =	simm.s32 @p2 $0x1  }
0x17: {  	s4 =	simm.s32 $0x1BF5;
	[smem:$0x3FB5] =	sst s0  }
0x18: {  	s0 =	sld [smem:$0x3F98];
	_ =	swait.ge [sflag:s4], $0x0  }
0x19: {  	s7 =	sld [smem:$0x3F99]  }
0x1a: {  	s8 =	sadd.s32 $0xFFFFE003, lr  }
0x1b: {  	s9 =	sadd.s32 $0xFFFFFEF7, lr;
	s5 =	simm.s32 $0xFFFFFFFF;
	p2 =	slt.u32 s8, $0xFFFFF086  }
0x1c: {  	p1 =	slt.u32 s9, $0xF7A;
	s5 =	simm.s32 @!p2 $0x0  }
0x1d: {  	s5 =	simm.s32 @p1 $0x1;
	p0 =	seq.s32 s7, s2  }
0x1e: {  	s7 =	smul.u32 @!p0 $0xF7A, s2;
	p2 =	seq.s32 @!p0 s5, $0x0  }
0x1f: {  	s9 =	smul.u32 $0xF7A, s1;
	s8 =	simm.s32 @!p0 $0x1BF5;
	p2 =	por !p2, p0  }
0x20: {  	[sflag:s8] =	ssyncset.s32 @!p0 $0xFFFFF086;
	s6 =	sadd.s32 @!p0 s3, s7;
	s7 =	simm.s32 @!p0 $0x108  }
0x21: {  	s3 =	sadd.s32 s3, s9;
	s6 =	sadd.s32 @!p0 $0x88, s6;
	s7 =	simm.s32 @p2 $0x1082  }
0x22: {  	[simem:s7], [sflag:s8] =	dma.local @!p0 [hbm:s6], $0xF7A  }
0x23: {  	s9 =	sor.u32 $0xD0000000, s2;
	s6 =	simm.s32 $0x108;
	_ =	swait.ge @!p0 [sflag:s8], $0x0  }
0x24: {  	s3 =	sadd.s32 $0x88, s3;
	s6 =	simm.s32 @!p1 $0x1082;
	[sflag:s4] =	ssyncset.s32 $0xFFFFF086  }
0x25: {  	[simem:s6], [sflag:s4] =	dma.local [hbm:s3], $0xF7A  }
0x26: {  	[smem:$0x3F99] =	sst s1;
	(tag) =	ssettag s2;
	_ =	strace s9  }
0x27: {  	s1 =	sld [smem:$0x3FA9]  }
0x28: {  	s2 =	sld [smem:$0x3FAA]  }
0x29: {  	s4 =	sld [smem:$0x3FAC]  }
0x2a: {  	p0 =	seq.s32 s5, $0x0;
	s5 =	sld [smem:$0x3FAD]  }
0x2b: {  	s6 =	sld [smem:$0x3FAE]  }
0x2c: {  	s7 =	sld [smem:$0x3FAF]  }
0x2d: {  	s3 =	simm.s32 $0x108;
	s8 =	sld [smem:$0x3FB0]  }
0x2e: {  	s3 =	simm.s32 @!p0 $0x1082;
	s9 =	sld [smem:$0x3FB1]  }
0x2f: {  	lr =	sadd.s32 s0, s3;
	s0 =	sld [smem:$0x3FA8]  }
0x30: {  	s3 =	sld [smem:$0x3FAB]  }
0x31: {  	[smem:$0x3FB4] =	sst s10  }
0x32: {  	s10 =	sld [smem:$0x3FB2];
	_ =	sdelay $0x3  }
0x33: {  	p0 =	seq.s32 s10, $0x1;
	s10 =	sld [smem:$0x3FB4];
	_ =	sdelay $0x3  }
0x34: {  	[smem:$0x3FB4] =	sst s10  }
0x35: {  	s10 =	sld [smem:$0x3FB3];
	_ =	sdelay $0x3  }
0x36: {  	p1 =	seq.s32 s10, $0x1;
	s10 =	sld [smem:$0x3FB4];
	_ =	sdelay $0x3  }
0x37: {  	[smem:$0x3FB4] =	sst s10  }
0x38: {  	s10 =	sld [smem:$0x3FB5]  }
0x39: {  	_ = 	snop;
	(pc) =	sbr.ind lr, $3  }
0x3a: {  	_ = 	snop  }
0x3b: {  	_ = 	snop  }
0x3c: {  	p2 =	seq.s32 s10, $0x1;
	s10 =	sld [smem:$0x3FB4]  }
0x3d: {  	_ =	shalt  }
0x3e: {  	_ =	shalt  }
0x3f: {  	_ =	shalt  }
0x40: {  	_ =	shalt  }
0x41: {  	_ =	shalt  }
0x42: {  	_ =	shalt  }
0x43: {  	_ =	shalt  }
0x44: {  	_ =	shalt  }
0x45: {  	_ =	shalt  }
0x46: {  	_ =	shalt  }
0x47: {  	_ =	shalt  }
0x48: {  	_ =	shalt  }
0x49: {  	_ =	shalt  }
0x4a: {  	_ =	shalt  }
0x4b: {  	_ =	shalt  }
0x4c: {  	_ =	shalt  }
0x4d: {  	_ =	shalt  }
0x4e: {  	_ =	shalt  }
0x4f: {  	_ =	shalt  }
0x50: {  	_ =	shalt  }
0x51: {  	_ =	shalt  }
0x52: {  	_ =	shalt  }
0x53: {  	_ =	shalt  }
0x54: {  	_ =	shalt  }
0x55: {  	_ =	shalt  }
0x56: {  	_ =	shalt  }
0x57: {  	_ =	shalt  }
0x58: {  	_ =	shalt  }
0x59: {  	_ =	shalt  }
0x5a: {  	_ =	shalt  }
0x5b: {  	_ =	shalt  }
0x5c: {  	_ =	shalt  }
0x5d: {  	_ =	shalt  }
0x5e: {  	_ =	shalt  }
0x5f: {  	_ =	shalt  }
0x60: {  	_ =	shalt  }
0x61: {  	_ =	shalt  }
0x62: {  	_ =	shalt  }
0x63: {  	_ =	shalt  }
0x64: {  	_ =	shalt  }
0x65: {  	_ =	shalt  }
0x66: {  	_ =	shalt  }
0x67: {  	_ =	shalt  }
0x68: {  	_ =	shalt  }
0x69: {  	_ =	shalt  }
0x6a: {  	_ =	shalt  }
0x6b: {  	_ =	shalt  }
0x6c: {  	_ =	shalt  }
0x6d: {  	_ =	shalt  }
0x6e: {  	_ =	shalt  }
0x6f: {  	_ =	shalt  }
0x70: {  	_ =	shalt  }
0x71: {  	_ =	shalt  }
0x72: {  	_ =	shalt  }
0x73: {  	_ =	shalt  }
0x74: {  	_ =	shalt  }
0x75: {  	_ =	shalt  }
0x76: {  	_ =	shalt  }
0x77: {  	_ =	shalt  }
0x78: {  	_ =	shalt  }
0x79: {  	_ =	shalt  }
0x7a: {  	_ =	shalt  }
0x7b: {  	_ =	shalt  }
0x7c: {  	_ =	shalt  }
0x7d: {  	_ =	shalt  }
0x7e: {  	_ =	shalt  }
0x7f: {  	_ =	shalt  }
0x80: {  	_ =	shalt  }
0x81: {  	_ =	shalt  }
0x82: {  	_ =	shalt  }
0x83: {  	_ =	shalt  }
0x84: {  	_ =	shalt  }
0x85: {  	_ =	shalt  }
0x86: {  	_ =	shalt  }
0x87: {  	_ =	shalt  }
.Lfunc_end0:
.L_simem_size_0:
called_computation_lowered:
.L_overlay_start_0:
0x88: {  	s2 =	sld [smem:$0x3FD9]  }
0x89: {  	s3 =	sld [smem:$0x3FFE];
	_ =	sdelay $0x1  }
0x8a: {  	s1 =	srdreg.scid  }
0x8b: {  	s0 =	sand.u32 $0x1, s1  }
0x8c: {  	s14 =	sshll.u32 s0, $0xA;
	s2 =	sadd.s32 s3, s2  }
0x8d: {  	s2 =	sadd.s32 s2, s14  }
0x8e: {  	[smem:$0x3FC0] =	sst s2  }
0x8f: {  	_ = 	snop  }
0x90: {  	s2 =	sld [smem:$0x3FD0];
	_ =	sdelay $0x1  }
0x91: {  	s15 =	sld [smem:$0x3FC5]  }
0x92: {  	s5 =	simm.s32 $0xA;
	s6 =	simm.s32 $0x10;
	s4 =	sld [smem:$0x3FC4]  }
0x93: {  	[smem:s6], [sflag:s5] =	dma.local [hbm:s2], $0x1  }
0x94: {  	_ =	swait.eq [sflag:s5], $0x1  }
0x95: {  	[sflag:s5] =	ssyncset.done $0x0  }
0x96: {  	[sflag:s5] =	ssyncadd.s32 $0xFFFFFFFF  }
0x97: {  	s16 =	sld [smem:$0x10];
	(tm) =	ssettm $0x1  }
0x98: {  	s17 =	sld [smem:$0x3FFB];
	_ =	sdelay $0x3  }
0x99: {  	_ =	strace s17  }
0x9a: {  	s5 =	sld [smem:$0x3FFC];
	_ =	sdelay $0x3  }
0x9b: {  	_ =	strace s5  }
0x9c: {  	s5 =	sld [smem:$0x3FFD];
	_ =	sdelay $0x3  }
0x9d: {  	_ =	strace s5  }
0x9e: {  	_ =	strace $0x8FFFFFFF  }
0x9f: {  	s18 =	sld [smem:$0x3FDB];
	_ =	sdelay $0x1  }
0xa0: {  	s19 =	simm.s32 $_scs_section_size  }
0xa1: {  	s7 =	simm.s32 $_size__tile_overlayer_lowered;
	s8 =	simm.s32 $_tile_overlayer_lowered  }
0xa2: {  	s22 =	simm.s32 $0x1BFF;
	s21 =	sshll.u32 s8, $0x1;
	s5 =	sadd.s32 s19, s18  }
0xa3: {  	s9 =	simm.s32 $0x0;
	s20 =	sshll.u32 s7, $0x1;
	s7 =	sadd.s32 s21, s5  }
0xa4: {  	[timem:s9], [sflag:s22] =	dma.local [hbm:s7], s20  }
0xa5: {  	_ =	swait.ge [sflag:s22], s20  }
0xa6: {  	s6 =	ssub.s32 $0x0, s20;
	[sflag:s22] =	ssyncset.done $0x0  }
0xa7: {  	[sflag:s22] =	ssyncadd.s32 s6;
	_ =	sdelay $0x1  }
0xa8: {  	s23 =	simm.s32 $0x1B8B  }
0xa9: {  	_ =	swait.ge [sflag:s23], $0x1  }
0xaa: {  	[sflag:s23] =	ssyncset.done $0x0  }
0xab: {  	s25 =	simm.s32 $0x1B8E;
	s24 =	sld [smem:$0x3FFE];
	[sflag:s23] =	ssyncadd.s32 $0xFFFFFFFF  }
0xac: {  	s26 =	simm.s32 $execute0_lowered;
	[smem:$0x3FD2] =	sst s25  }
0xad: {  	s7 =	sshll.u32 s26, $0x1;
	_ =	strace $0x80000046;
	[dreg:$0x1] =	wrdreg $0xFFFFFFFF  }
0xae: {  	s28 =	simm.s32 $_size_execute0_lowered;
	s5 =	sadd.s32 s5, s7;
	[dreg:$0x0] =	wrdreg $0x0  }
0xaf: {  	s7 =	sshll.u32 s28, $0x1;
	[dreg:$0x2] =	wrdreg s5  }
0xb0: {  	[dreg:$0x3] =	wrdreg s7  }
0xb1: {  	[dreg:$0x4] =	wrdreg $0xC0  }
0xb2: {  	_ =	task [dreg:s9], $0x5FFFF  }
0xb3: {  	[dreg:$0x1] =	wrdreg $0xFFFFFFFF  }
0xb4: {  	[dreg:$0x0] =	wrdreg $0x60  }
0xb5: {  	[dreg:$0x2] =	wrdreg s15  }
0xb6: {  	[dreg:$0x3] =	wrdreg s4  }
0xb7: {  	[dreg:$0x4] =	wrdreg s24  }
0xb8: {  	[dreg:$0x5] =	wrdreg s16  }
0xb9: {  	[dreg:$0x6] =	wrdreg $0x9  }
0xba: {  	_ =	task.clear_ibuf [dreg:s9], $0x7FFFF;
	_ =	strace $0x90000046  }
0xbb: {  	s29 =	simm.s32 $0x9;
	_ =	strace $0x80000048  }
0xbc: {  	_ =	swait.ge [sflag:s29], $0x1  }
0xbd: {  	[sflag:s29] =	ssyncadd.s32 $0xFFFFFFFF  }
0xbe: {  	_ =	strace $0x90000048  }
0xbf: {  	_ =	sfence  }
0xc0: {  	s30 =	sld [smem:$0x0];
	_ =	sdelay $0x2  }
0xc1: {  	s31 =	sshll.u32 s1, $0xD;
	s1 =	sshrl.u32 s1, $0x2  }
0xc2: {  	s3 =	sand.u32 $0x4000, s31;
	s1 =	sadd.s32 s1, s30  }
0xc3: {  	s0 =	sor.u32 s3, s0;
	s1 =	sshll.u32 s1, $0x11  }
0xc4: {  	s0 =	sor.u32 s1, s0  }
0xc5: {  	s0 =	sadd.s32 $0x8F2B, s0  }
0xc6: {  	[sflag:s0] =	ssyncadd.remote.s32 $0x1  }
0xc7: {  	_ =	sfence.sel $0xFFFF  }
0xc8: {  	[dreg:$0x0] =	wrdreg $0xFFFFFFFF;
	(pc) =	sbr.abs _section_cstart, $3  }
0xc9: {  	[dreg:$0x1] =	wrdreg $0xFFFFFFFF  }
0xca: {  	_ =	task.clear_ibuf [dreg:s9], $0x2FFFF;
	_ =	strace $0x9FFFFFFF  }
0xcb: {  	(tm) =	ssettm $0x7FFFFFFF  }
tec
execute0_lowered:
.L_overlay_start_1:
0x0: {  	(tag) =	ssettag $0x1  }
0x1: {  	s1 =	rddreg [dreg:$0x0]  }
0x2: {  	s2 =	rddreg [dreg:$0x1]  }
0x3: {  	s21 =	rddreg [dreg:$0x2]  }
0x4: {  	s4 =	rddreg [dreg:$0x3];
	s3 =	srdreg.scid  }
0x5: {  	s0 =	rddreg [dreg:$0x4];
	s5 =	simm.s32 $0x0;
	s24 =	sand.u32 $0x1, s3  }
0x6: {  	s3 =	stileid.u32;
	s6 =	sshll.u32 s24, $0x4;
	s7 =	smul.u32 $0x28, s24  }
0x7: {  	[smem:$0x7FF] =	sst s5;
	s29 =	sshll.u32 s3, $0x7;
	s12 =	sor.u32 s3, s6  }
0x8: {  	s13 =	sadd.s32 $0x2800, s21;
	s8 =	sshll.u32 s12, $0x4;
	s6 =	sor.u32 s7, s29  }
0x9: {  	_ =	strace $0x80000047;
	s30 =	sadd.s32 s8, s21;
	s6 =	sshrl.u32 s6, $0x3  }
0xa: {  	s31 =	sshll.u32 s3, $0x1;
	s9 =	sadd.s32 s6, s21;
	s6 =	sadd.s32 $0x2C00, s30  }
0xb: {  	[tilespmem:s5], [sflag:$0x1] =	stream.linear.gather [hbm4b:s6+s5], $0x68, $0x38;
	[tilespmem:$0x4F00] =	vst v63  }
0xc: {  	s10 =	sadd.s32 s31, s21;
	s8 =	simm.s32 $0x80;
	s7 =	sadd.s32 $0x2E00, s9  }
0xd: {  	[tilespmem:s8], [sflag:$0x1] =	stream.linear.gather [hbm4b:s7+s5], $0x28, $0x38;
	[tilespmem:$0x4F00] =	vst v63  }
0xe: {  	s11 =	sadd.s32 s12, s13;
	s9 =	sadd.s32 $0x1A00, s10;
	s10 =	simm.s32 $0x100  }
0xf: {  	[tilespmem:s10], [sflag:$0x1] =	stream.linear.gather [hbm4b:s9+s5], $0x10, $0x38;
	[tilespmem:$0x4F00] =	vst v63  }
0x10: {  	s14 =	smul.u32 $0x13, s12;
	s12 =	simm.s32 $0x180;
	s11 =	sadd.s32 $0x260, s11  }
0x11: {  	[tilespmem:s12], [sflag:$0x2] =	stream.linear.gather [hbm4b:s11+s5], $0x8, $0x38;
	[tilespmem:$0x4F00] =	vst v63  }
0x12: {  	s15 =	simm.s32 $0x1;
	s13 =	sadd.s32 s13, s14;
	s14 =	simm.s32 $0x200  }
0x13: {  	[tilespmem:s14], [sflag:$0x2] =	stream.linear.gather [hbm4b:s13+s5], $0x98, $0x38;
	[tilespmem:$0x4F00] =	vst v63  }
0x14: {  	_ =	swait.ge [sflag:s15], $0x68  }
0x15: {  	[sflag:s15] =	ssyncset.done $0x0  }
0x16: {  	[sflag:s15] =	ssyncadd.s32 $0xFFFFFF98  }
0x17: {  	_ =	swait.ge [sflag:s15], $0x28  }
0x18: {  	[sflag:s15] =	ssyncset.done $0x0  }
0x19: {  	[sflag:s15] =	ssyncadd.s32 $0xFFFFFFD8  }
0x1a: {  	_ =	swait.ge [sflag:s15], $0x10  }
0x1b: {  	[sflag:s15] =	ssyncset.done $0x0  }
0x1c: {  	s16 =	simm.s32 $0x2;
	[sflag:s15] =	ssyncadd.s32 $0xFFFFFFF0  }
0x1d: {  	_ =	swait.ge [sflag:s16], $0x8  }
0x1e: {  	[sflag:s16] =	ssyncset.done $0x0  }
0x1f: {  	[sflag:s16] =	ssyncadd.s32 $0xFFFFFFF8  }
0x20: {  	_ =	swait.ge [sflag:s16], $0x98  }
0x21: {  	[sflag:s16] =	ssyncset.done $0x0  }
0x22: {  	p0 =	sne.s32 s24, $0x0;
	[sflag:s16] =	ssyncadd.s32 $0xFFFFFF68  }
0x23: {  	v0 =	vld @!p0 [tilespmem:$0x100]  }
0x24: {  	v1 =	vld @!p0 [tilespmem:$0x0];
	_ =	sdelay $0x3  }
0x25: {  	vm0 =	vmmov @!p0 $0x1  }
0x26: {  	v0 =	vsel @!p0 vm0, v0, v1  }
0x27: {  	s17 =	simm.s32 $0x68;
	s18 =	simm.s32 $0x300;
	[tilespmem:$0x0] =	vst @!p0 v0  }
0x28: {  	[tilespmem:s18], [sflag:$0x1] =	stream.indirect.gather [hbm4b:s1+s17], $0x80, s5, s17, $0xb8;
	[tilespmem:$0x4F00] =	vst v63  }
0x29: {  	s19 =	simm.s32 $0x28;
	s20 =	simm.s32 $0x3700  }
0x2a: {  	[tilespmem:s20], [sflag:$0x1] =	stream.indirect.gather [hbm4b:s2+s19], $0x80, s8, s19, $0xb8;
	[tilespmem:$0x4F00] =	vst v63  }
0x2b: {  	s22 =	simm.s32 $0x8;
	s23 =	simm.s32 $0x4B00;
	s21 =	sadd.s32 $0x1C00, s21  }
0x2c: {  	[tilespmem:s23], [sflag:$0x1] =	stream.indirect.gather [hbm4b:s21+s22], $0x80, s12, s22, $0xb8;
	[tilespmem:$0x4F00] =	vst v63  }
0x2d: {  	s24 =	ssub.s32 $0x2, s24;
	_ =	swait.ge [sflag:s15], $0x3400  }
0x2e: {  	s25 =	sshrl.u32 s24, $0x1;
	[sflag:s15] =	ssyncset.done $0x0  }
0x2f: {  	s24 =	ssub.s32 s24, s25;
	[sflag:s15] =	ssyncadd.s32 $0xFFFFCC00  }
0x30: {  	s25 =	smax.u32 s24, $0x1;
	_ =	swait.ge [sflag:s15], $0x1400  }
0x31: {  	s25 =	sadd.s32 $0xFFFFFFFF, s25;
	[sflag:s15] =	ssyncset.done $0x0  }
0x32: {  	p1 =	sne.s32 s25, $0x0;
	[sflag:s15] =	ssyncadd.s32 $0xFFFFEC00  }
.Ltmp0:
0x33: {  	_ =	swait.ge [sflag:s15], $0x400;
	(pc) =	sbr.rel @!p1 .LBB2_2-.Ltmp0, $4  }
0x34: {  	[sflag:s15] =	ssyncset.done $0x0  }
0x35: {  	s26 =	simm.s32 $0x3;
	s24 =	simm.s32 $0x98;
	[sflag:s15] =	ssyncadd.s32 $0xFFFFFC00  }
0x36: {  	[hbm4b:s4+s24] =	stream.indirect.scatter [tilespmem:s18], [sflag:$0x3], $0x80, s14, s24, $0xb8;
	[tilespmem:$0x4F00] =	vst v63  }
0x37: {  	_ =	swait.ge [sflag:s26], $0x4C00  }
.LBB2_1:
0x38: {  	s25 =	sadd.s32 $0xFFFFFFFF, s25;
	[sflag:s26] =	ssyncset.done $0x0  }
0x39: {  	p1 =	sne.s32 s25, $0x0;
	[sflag:s26] =	ssyncadd.s32 $0xFFFFB400  }
0x3a: {  	[tilespmem:s5], [sflag:$0x1] =	stream.linear.gather [hbm4b:s6+s5], $0x68, $0x38;
	[tilespmem:$0x4F00] =	vst v63  }
0x3b: {  	_ = 	snop  }
0x3c: {  	[tilespmem:s8], [sflag:$0x1] =	stream.linear.gather [hbm4b:s7+s5], $0x28, $0x38;
	[tilespmem:$0x4F00] =	vst v63  }
0x3d: {  	_ = 	snop  }
0x3e: {  	[tilespmem:s10], [sflag:$0x1] =	stream.linear.gather [hbm4b:s9+s5], $0x10, $0x38;
	[tilespmem:$0x4F00] =	vst v63  }
0x3f: {  	_ = 	snop  }
0x40: {  	[tilespmem:s12], [sflag:$0x2] =	stream.linear.gather [hbm4b:s11+s5], $0x8, $0x38;
	[tilespmem:$0x4F00] =	vst v63  }
0x41: {  	_ = 	snop  }
0x42: {  	[tilespmem:s14], [sflag:$0x2] =	stream.linear.gather [hbm4b:s13+s5], $0x98, $0x38;
	[tilespmem:$0x4F00] =	vst v63  }
0x43: {  	_ =	swait.ge [sflag:s15], $0x68  }
0x44: {  	[sflag:s15] =	ssyncset.done $0x0  }
0x45: {  	[sflag:s15] =	ssyncadd.s32 $0xFFFFFF98  }
0x46: {  	_ =	swait.ge [sflag:s15], $0x28  }
0x47: {  	[sflag:s15] =	ssyncset.done $0x0  }
0x48: {  	[sflag:s15] =	ssyncadd.s32 $0xFFFFFFD8  }
0x49: {  	_ =	swait.ge [sflag:s15], $0x10  }
0x4a: {  	[sflag:s15] =	ssyncset.done $0x0  }
0x4b: {  	[sflag:s15] =	ssyncadd.s32 $0xFFFFFFF0  }
0x4c: {  	_ =	swait.ge [sflag:s16], $0x8  }
0x4d: {  	[sflag:s16] =	ssyncset.done $0x0  }
0x4e: {  	[sflag:s16] =	ssyncadd.s32 $0xFFFFFFF8  }
0x4f: {  	_ =	swait.ge [sflag:s16], $0x98  }
0x50: {  	[sflag:s16] =	ssyncset.done $0x0  }
0x51: {  	[sflag:s16] =	ssyncadd.s32 $0xFFFFFF68  }
0x52: {  	v0 =	vld @!p0 [tilespmem:$0x100]  }
0x53: {  	v1 =	vld @!p0 [tilespmem:$0x0];
	_ =	sdelay $0x4  }
0x54: {  	v0 =	vsel @!p0 vm0, v0, v1  }
0x55: {  	[tilespmem:$0x0] =	vst @!p0 v0  }
0x56: {  	[tilespmem:s18], [sflag:$0x1] =	stream.indirect.gather [hbm4b:s1+s17], $0x80, s5, s17, $0xb8;
	[tilespmem:$0x4F00] =	vst v63  }
0x57: {  	_ = 	snop  }
0x58: {  	[tilespmem:s20], [sflag:$0x1] =	stream.indirect.gather [hbm4b:s2+s19], $0x80, s8, s19, $0xb8;
	[tilespmem:$0x4F00] =	vst v63  }
0x59: {  	_ = 	snop  }
0x5a: {  	[tilespmem:s23], [sflag:$0x1] =	stream.indirect.gather [hbm4b:s21+s22], $0x80, s12, s22, $0xb8;
	[tilespmem:$0x4F00] =	vst v63  }
0x5b: {  	_ =	swait.ge [sflag:s15], $0x3400  }
0x5c: {  	[sflag:s15] =	ssyncset.done $0x0  }
0x5d: {  	[sflag:s15] =	ssyncadd.s32 $0xFFFFCC00  }
0x5e: {  	_ =	swait.ge [sflag:s15], $0x1400  }
0x5f: {  	[sflag:s15] =	ssyncset.done $0x0  }
0x60: {  	[sflag:s15] =	ssyncadd.s32 $0xFFFFEC00  }
.Ltmp1:
0x61: {  	_ =	swait.ge [sflag:s15], $0x400;
	(pc) =	sbr.rel @p1 .LBB2_1-.Ltmp1, $4  }
0x62: {  	[sflag:s15] =	ssyncset.done $0x0  }
0x63: {  	[sflag:s15] =	ssyncadd.s32 $0xFFFFFC00  }
0x64: {  	[hbm4b:s4+s24] =	stream.indirect.scatter [tilespmem:s18], [sflag:$0x3], $0x80, s14, s24, $0xb8;
	[tilespmem:$0x4F00] =	vst v63  }
0x65: {  	_ =	swait.ge [sflag:s26], $0x4C00  }
.LBB2_2:
0x66: {  	[sflag:s26] =	ssyncset.done $0x0  }
0x67: {  	[sflag:s26] =	ssyncadd.s32 $0xFFFFB400  }
0x68: {  	_ =	sfence.sel $0x180000  }
0x69: {  	[bflag:$0x0] =	sbarrier.arrive $0xFFFF  }
0x6a: {  	p0 =	sne.s32 s3, $0x0;
	_ =	strace $0x90000047  }
0x6b: {  	s0 =	sadd.s32 @!p0 $0x100000, s0;
	[bflag:$0x2] =	sbarrier.arrive $0xFFFF  }
0x6c: {  	[sflag:s0] =	ssyncadd.tile.s32 @!p0 $0x1;
	_ =	shalt  }
.Lfunc_end2:
_tile_overlayer_lowered:
.L_overlay_start_2:
0x6d: {  	(tag) =	ssettag $0x2  }
0x6e: {  	s0 =	rddreg [dreg:$0x0];
	s2 =	stileid.u32  }
0x6f: {  	s1 =	rddreg [dreg:$0x1];
	p0 =	sne.s32 s2, $0x0  }
0x70: {  	s3 =	rddreg [dreg:$0x2];
	[bflag:$0x3] =	sbarrier.arrive $0xFFFF;
	s2 =	simm.s32 @!p0 $0x1C04  }
0x71: {  	[timem:s3], [sflag:s2] =	dma.local @!p0 [hbm:s0], s1  }
0x72: {  	s0 =	simm.s32 @!p0 $0x4  }
0x73: {  	_ =	swait.ge @!p0 [sflag:s0], s1  }
0x74: {  	s1 =	ssub.s32 @!p0 $0x0, s1;
	[sflag:s0] =	ssyncset.done @!p0 $0x0  }
0x75: {  	[sflag:s0] =	ssyncadd.s32 @!p0 s1  }
0x76: {  	[bflag:$0x3] =	sbarrier.arrive $0xFFFF  }
0x77: {  	_ =	shalt  }

</sc_bundles>
